<compile_context>
chip_gen: v7x
topology: tpu7x:2x2x1
jax: 0.10.2.dev20260603
libtpu: 0.0.44.dev20260713+nightly
codegen_flags: <defaults>
</compile_context>

<pallas_src>
import jax
import jax.numpy as jnp
from jax.experimental import pallas as pl


def _conv(x, w, b, stride, pad):
    y = jax.lax.conv_general_dilated(x, w, (stride, stride), [(pad, pad), (pad, pad)],
                                     dimension_numbers=('NCHW', 'OIHW', 'NCHW'))
    return y + b[None, :, None, None]


def _conv_nhwc(x, w, b, stride, pad):
    y = jax.lax.conv_general_dilated(x, w, (stride, stride), [(pad, pad), (pad, pad)],
                                     dimension_numbers=('NHWC', 'OIHW', 'NHWC'))
    return y + b[None, None, None, :]


def _convT_nhwc(x, w, b):
    y = jax.lax.conv_transpose(x, w, (2, 2), 'SAME', dimension_numbers=('NHWC', 'OIHW', 'NHWC'))
    return y + b[None, None, None, :]


_HT = 16


def _vq_kernel(z_ref, cb_ref, zq_ref, loss_ref):
    C = z_ref.shape[1]
    n = z_ref.shape[2] * z_ref.shape[3]
    z = z_ref[0].reshape(C, n)
    cb = cb_ref[...]
    cnorm = jnp.sum(cb * cb, axis=1)
    znorm = jnp.sum(z * z, axis=0)
    scores = jax.lax.dot_general(
        cb.astype(jnp.bfloat16), z.astype(jnp.bfloat16), (((1,), (0,)), ((), ())),
        preferred_element_type=jnp.float32)
    d2 = (znorm[None, :] - 2.0 * scores) + cnorm[:, None]
    idx = jnp.argmin(d2, axis=0)
    m = jnp.min(d2, axis=0)
    part = jnp.sum(m).reshape(1, 1)

    onehot = (jax.lax.broadcasted_iota(jnp.int32, d2.shape, 0)
              == idx[None, :]).astype(jnp.bfloat16)
    zq = jax.lax.dot_general(
        onehot, cb.astype(jnp.bfloat16), (((0,), (0,)), ((), ())),
        preferred_element_type=jnp.float32)

    zq_ref[...] = zq.reshape(zq_ref.shape)

    @pl.when((pl.program_id(0) == 0) & (pl.program_id(1) == 0))
    def _():
        loss_ref[...] = jnp.zeros_like(loss_ref)
    loss_ref[...] += part


def _vq(z_e, codebook):
    B, C, H, W = z_e.shape
    zq, loss_sum = pl.pallas_call(
        _vq_kernel,
        grid=(B, H // _HT),
        in_specs=[
            pl.BlockSpec((1, C, _HT, W), lambda i, j: (i, 0, j, 0)),
            pl.BlockSpec(codebook.shape, lambda i, j: (0, 0)),
        ],
        out_specs=[
            pl.BlockSpec((1, _HT, W, C), lambda i, j: (i, j, 0, 0)),
            pl.BlockSpec((1, 1), lambda i, j: (0, 0)),
        ],
        out_shape=[
            jax.ShapeDtypeStruct((B, H, W, C), jnp.float32),
            jax.ShapeDtypeStruct((1, 1), jnp.float32),
        ],
    )(z_e, codebook)
    mean_sq = loss_sum[0, 0] / (B * C * H * W)
    return zq, mean_sq


def kernel(x, enc_w1, enc_b1, enc_w2, enc_b2, enc_w3, enc_b3, codebook,
           dec_w1, dec_b1, dec_w2, dec_b2, dec_w3, dec_b3):
    commitment_cost = 0.25
    h = jax.nn.relu(_conv(x, enc_w1, enc_b1, 2, 1))
    h = jax.nn.relu(_conv(h, enc_w2, enc_b2, 2, 1))
    z_e = _conv(h, enc_w3, enc_b3, 1, 1)

    z_q, mean_sq = _vq(z_e, codebook)
    commitment_loss = mean_sq
    codebook_loss = mean_sq
    vq_loss = codebook_loss + commitment_cost * commitment_loss

    g = jax.nn.relu(_conv_nhwc(z_q, dec_w1, dec_b1, 1, 1))
    g = jax.nn.relu(_convT_nhwc(g, dec_w2, dec_b2))
    x_recon = _convT_nhwc(g, dec_w3, dec_b3)
    return (jnp.transpose(x_recon, (0, 3, 1, 2)), vq_loss, commitment_loss, codebook_loss)

# --- scband reference (transcript-rebuilt; emitter-appended) ---
"""Pipeline reference for scband-vqvae-60516089200640 (READ-ONLY COPY).

The authoritative reference and input builder live on the scoring server;
editing this copy changes nothing except your own understanding.
"""

import jax, jax.numpy as jnp
import numpy as np


def _conv(x, w, b, stride, pad):
    y = jax.lax.conv_general_dilated(x, w, (stride, stride), [(pad, pad), (pad, pad)],
                                     dimension_numbers=('NCHW', 'OIHW', 'NCHW'))
    return y + b[None, :, None, None]


def _convT(x, w, b):
    y = jax.lax.conv_transpose(x, w, (2, 2), 'SAME', dimension_numbers=('NCHW', 'OIHW', 'NCHW'))
    return y + b[None, :, None, None]


def setup_inputs(seed: int = 0):
    key = jax.random.key(seed)
    ks = jax.random.split(key, 10)
    def p(k, shape, s=0.05):
        return jax.random.normal(k, shape, dtype=jnp.float32) * s
    return {
        'x': jax.random.normal(ks[0], (4, 3, 512, 512), dtype=jnp.float32),
        'enc_w1': p(ks[1], (64, 3, 4, 4)),   'enc_b1': jnp.zeros((64,), jnp.float32),
        'enc_w2': p(ks[2], (128, 64, 4, 4)), 'enc_b2': jnp.zeros((128,), jnp.float32),
        'enc_w3': p(ks[3], (128, 128, 3, 3)),'enc_b3': jnp.zeros((128,), jnp.float32),
        'codebook': jax.random.normal(ks[4], (512, 128), dtype=jnp.float32),
        'dec_w1': p(ks[5], (128, 128, 3, 3)),'dec_b1': jnp.zeros((128,), jnp.float32),
        'dec_w2': p(ks[6], (64, 128, 4, 4)), 'dec_b2': jnp.zeros((64,), jnp.float32),
        'dec_w3': p(ks[7], (3, 64, 4, 4)),   'dec_b3': jnp.zeros((3,), jnp.float32),
    }


def reference(x, enc_w1, enc_b1, enc_w2, enc_b2, enc_w3, enc_b3, codebook,
              dec_w1, dec_b1, dec_w2, dec_b2, dec_w3, dec_b3):
    commitment_cost = 0.25
    # Encoder: 512 -> 256 -> 128 spatial, embedding_dim channels
    h = jax.nn.relu(_conv(x, enc_w1, enc_b1, 2, 1))
    h = jax.nn.relu(_conv(h, enc_w2, enc_b2, 2, 1))
    z_e = _conv(h, enc_w3, enc_b3, 1, 1)
    B, D, H, W = z_e.shape
    z = jnp.transpose(z_e, (0, 2, 3, 1)).reshape(-1, D)
    # Nearest-codebook search
    dists = (jnp.sum(z * z, axis=1, keepdims=True)
             - 2.0 * z @ codebook.T
             + jnp.sum(codebook * codebook, axis=1)[None, :])
    idx = jnp.argmin(dists, axis=1)
    zq = jnp.take(codebook, idx, axis=0)
    commitment_loss = jnp.mean((z - jax.lax.stop_gradient(zq)) ** 2)
    codebook_loss = jnp.mean((jax.lax.stop_gradient(z) - zq) ** 2)
    vq_loss = codebook_loss + commitment_cost * commitment_loss
    # Straight-through estimator
    zq_st = z + jax.lax.stop_gradient(zq - z)
    z_q = jnp.transpose(zq_st.reshape(B, H, W, D), (0, 3, 1, 2))
    # Decoder: 128 -> 256 -> 512 spatial
    g = jax.nn.relu(_conv(z_q, dec_w1, dec_b1, 1, 1))
    g = jax.nn.relu(_convT(g, dec_w2, dec_b2))
    x_recon = _convT(g, dec_w3, dec_b3)
    return (x_recon, vq_loss, commitment_loss, codebook_loss)

if __name__ == "__main__":
    import jax
    _d = setup_inputs()
    print(jax.jit(kernel)(*tuple(_d.values())))

</pallas_src>

<mosaic_0001>
module attributes {stable_mosaic.version = 14 : i64} {
  func.func @_vq_kernel(%arg0: i32, %arg1: i32, %arg2: memref<1x128x16x128xf32, #tpu.memory_space<vmem>>, %arg3: memref<512x128xf32, #tpu.memory_space<vmem>>, %arg4: memref<1x16x128x128xf32, #tpu.memory_space<vmem>>, %arg5: memref<1x1xf32, #tpu.memory_space<vmem>>) attributes {dimension_semantics = [#tpu.dimension_semantics<arbitrary>, #tpu.dimension_semantics<arbitrary>], iteration_bounds = array<i64: 4, 8>, scalar_prefetch = 0 : i64, scratch_operands = 0 : i64, tpu.core_type = #tpu.core_type<tc>, window_params = [{transform_indices = @transform_0, window_bounds = array<i64: 1, 128, 16, 128>}, {pipeline_mode = #tpu.pipeline_mode<synchronous>, transform_indices = @transform_1, window_bounds = array<i64: 512, 128>}, {transform_indices = @transform_2, window_bounds = array<i64: 1, 16, 128, 128>}, {pipeline_mode = #tpu.pipeline_mode<synchronous>, transform_indices = @transform_3, window_bounds = array<i64: 1, 1>}]} {
    %get3A = arith.constant 0 : index
    %get3A_0 = arith.constant 0 : index
    %get3A_1 = arith.constant 0 : index
    %get3A_2 = arith.constant 0 : index
    %get3A_3 = vector.load %arg2[%get3A, %get3A_0, %get3A_1, %get3A_2] : memref<1x128x16x128xf32, #tpu.memory_space<vmem>>, vector<1x128x16x128xf32>
    %get3A_4 = vector.shape_cast %get3A_3 : vector<1x128x16x128xf32> to vector<128x16x128xf32>
    %reshape3A = vector.shape_cast %get3A_4 : vector<128x16x128xf32> to vector<128x2048xf32>
    %get3A_5 = arith.constant 0 : index
    %get3A_6 = arith.constant 0 : index
    %get3A_7 = vector.load %arg3[%get3A_5, %get3A_6] : memref<512x128xf32, #tpu.memory_space<vmem>>, vector<512x128xf32>
    %mul3A = arith.mulf %get3A_7, %get3A_7 : vector<512x128xf32>
    %reduce_sum3A = arith.constant dense<0.000000e+00> : vector<512xf32>
    %reduce_sum3A_8 = vector.multi_reduction <add>, %mul3A, %reduce_sum3A [1] : vector<512x128xf32> to vector<512xf32>
    %mul3A_9 = arith.mulf %reshape3A, %reshape3A : vector<128x2048xf32>
    %reduce_sum3A_10 = arith.constant dense<0.000000e+00> : vector<2048xf32>
    %reduce_sum3A_11 = vector.multi_reduction <add>, %mul3A_9, %reduce_sum3A_10 [0] : vector<128x2048xf32> to vector<2048xf32>
    %convert_element_type3A = arith.truncf %get3A_7 : vector<512x128xf32> to vector<512x128xbf16>
    %convert_element_type3A_12 = arith.truncf %reshape3A : vector<128x2048xf32> to vector<128x2048xbf16>
    %dot_general3A = arith.constant dense<0.000000e+00> : vector<512x2048xf32>
    %dot_general3A_13 = tpu.matmul %convert_element_type3A, %convert_element_type3A_12, %dot_general3A {dimension_numbers = #tpu.dot_dimension_numbers<[1], [0], [0], [1], [0, 0, 1, 1], [], []>, transpose_lhs_hint = false} : vector<512x128xbf16>, vector<128x2048xbf16>, vector<512x2048xf32> -> vector<512x2048xf32>
    %broadcast_in_dim3A = vector.shape_cast %reduce_sum3A_11 : vector<2048xf32> to vector<1x2048xf32>
    %mul3A_14 = arith.constant 2.000000e+00 : f32
    %mul3A_15 = vector.broadcast %mul3A_14 : f32 to vector<512x2048xf32>
    %mul3A_16 = arith.mulf %mul3A_15, %dot_general3A_13 : vector<512x2048xf32>
    %sub3A = vector.broadcast %broadcast_in_dim3A : vector<1x2048xf32> to vector<512x2048xf32>
    %sub3A_17 = arith.subf %sub3A, %mul3A_16 : vector<512x2048xf32>
    %broadcast_in_dim3A_18 = vector.shape_cast %reduce_sum3A_8 : vector<512xf32> to vector<512x1xf32>
    %add3A = vector.broadcast %broadcast_in_dim3A_18 : vector<512x1xf32> to vector<512x2048xf32>
    %add3A_19 = arith.addf %sub3A_17, %add3A : vector<512x2048xf32>
    %argmin3A = tpu.reduce_index %add3A_19 {axis = 0 : i32, kind = #tpu.reduction_kind<arg_min>} : vector<512x2048xf32> -> vector<2048xi32>
    %reduce_min3A = arith.constant dense<0x7F800000> : vector<2048xf32>
    %reduce_min3A_20 = vector.multi_reduction <minimumf>, %add3A_19, %reduce_min3A [0] : vector<512x2048xf32> to vector<2048xf32>
    %reduce_sum3A_21 = vector.shape_cast %reduce_min3A_20 : vector<2048xf32> to vector<1x2048xf32>
    %reduce_sum3A_22 = arith.constant dense<0.000000e+00> : vector<1xf32>
    %reduce_sum3A_23 = vector.multi_reduction <add>, %reduce_sum3A_21, %reduce_sum3A_22 [1] : vector<1x2048xf32> to vector<1xf32>
    %reduce_sum3A_24 = vector.shape_cast %reduce_sum3A_23 : vector<1xf32> to vector<1x1xf32>
    %reduce_sum3A_25 = vector.extract %reduce_sum3A_24[0, 0] : f32 from vector<1x1xf32>
    %reshape3A_26 = vector.broadcast %reduce_sum3A_25 : f32 to vector<1x1xf32>
    %iota3A = tpu.iota {dimensions = array<i32: 0>} : vector<512x2048xi32>
    %broadcast_in_dim3A_27 = vector.shape_cast %argmin3A : vector<2048xi32> to vector<1x2048xi32>
    %eq3A = vector.broadcast %broadcast_in_dim3A_27 : vector<1x2048xi32> to vector<512x2048xi32>
    %eq3A_28 = arith.cmpi eq, %iota3A, %eq3A : vector<512x2048xi32>
    %convert_element_type3A_29 = arith.extui %eq3A_28 : vector<512x2048xi1> to vector<512x2048xi32>
    %convert_element_type3A_30 = arith.sitofp %convert_element_type3A_29 : vector<512x2048xi32> to vector<512x2048xf32>
    %convert_element_type3A_31 = arith.truncf %convert_element_type3A_30 : vector<512x2048xf32> to vector<512x2048xbf16>
    %convert_element_type3A_32 = arith.truncf %get3A_7 : vector<512x128xf32> to vector<512x128xbf16>
    %dot_general3A_33 = arith.constant dense<0.000000e+00> : vector<2048x128xf32>
    %dot_general3A_34 = tpu.matmul %convert_element_type3A_31, %convert_element_type3A_32, %dot_general3A_33 {dimension_numbers = #tpu.dot_dimension_numbers<[0], [0], [1], [1], [0, 1, 1, 1], [], []>, transpose_lhs_hint = false} : vector<512x2048xbf16>, vector<512x128xbf16>, vector<2048x128xf32> -> vector<2048x128xf32>
    %reshape3A_35 = vector.shape_cast %dot_general3A_34 : vector<2048x128xf32> to vector<1x16x128x128xf32>
    %swap3A = arith.constant 0 : index
    %swap3A_36 = arith.constant 0 : index
    %swap3A_37 = arith.constant 0 : index
    %swap3A_38 = arith.constant 0 : index
    %swap3A_39 = vector.load %arg4[%swap3A, %swap3A_36, %swap3A_37, %swap3A_38] : memref<1x16x128x128xf32, #tpu.memory_space<vmem>>, vector<1x16x128x128xf32>
    tpu.vector_store %arg4[%swap3A, %swap3A_36, %swap3A_37, %swap3A_38], %reshape3A_35 {strides = array<i32>} : memref<1x16x128x128xf32, #tpu.memory_space<vmem>>, vector<1x16x128x128xf32>,
    %eq3A_40 = arith.constant 0 : i32
    %eq3A_41 = arith.cmpi eq, %arg0, %eq3A_40 : i32
    %eq3A_42 = arith.constant 0 : i32
    %eq3A_43 = arith.cmpi eq, %arg1, %eq3A_42 : i32
    %and3A = arith.andi %eq3A_41, %eq3A_43 : i1
    %convert_element_type3A_44 = arith.extui %and3A : i1 to i32
    %cond3A = arith.constant 0 : i32
    %cond3A_45 = arith.cmpi ne, %convert_element_type3A_44, %cond3A : i32
    scf.if %cond3A_45 {
      %broadcast_in_dim3A_53 = arith.constant 0.000000e+00 : f32
      %broadcast_in_dim3A_54 = vector.broadcast %broadcast_in_dim3A_53 : f32 to vector<1x1xf32>
      %swap3A_55 = arith.constant 0 : index
      %swap3A_56 = arith.constant 0 : index
      %swap3A_57 = vector.load %arg5[%swap3A_55, %swap3A_56] : memref<1x1xf32, #tpu.memory_space<vmem>>, vector<1x1xf32>
      tpu.vector_store %arg5[%swap3A_55, %swap3A_56], %broadcast_in_dim3A_54 {strides = array<i32>} : memref<1x1xf32, #tpu.memory_space<vmem>>, vector<1x1xf32>,
    } else {
    }
    %get3A_46 = arith.constant 0 : index
    %get3A_47 = arith.constant 0 : index
    %get3A_48 = vector.load %arg5[%get3A_46, %get3A_47] : memref<1x1xf32, #tpu.memory_space<vmem>>, vector<1x1xf32>
    %add3A_49 = arith.addf %get3A_48, %reshape3A_26 : vector<1x1xf32>
    %swap3A_50 = arith.constant 0 : index
    %swap3A_51 = arith.constant 0 : index
    %swap3A_52 = vector.load %arg5[%swap3A_50, %swap3A_51] : memref<1x1xf32, #tpu.memory_space<vmem>>, vector<1x1xf32>
    tpu.vector_store %arg5[%swap3A_50, %swap3A_51], %add3A_49 {strides = array<i32>} : memref<1x1xf32, #tpu.memory_space<vmem>>, vector<1x1xf32>,
    return
  }
  func.func @transform_0(%arg0: i32, %arg1: i32) -> (i32, i32, i32, i32) {
    %c0_i32 = arith.constant 0 : i32
    %c0_i32_0 = arith.constant 0 : i32
    %c0_i32_1 = arith.constant 0 : i32
    return %arg0, %c0_i32, %arg1, %c0_i32_0 : i32, i32, i32, i32
  }
  func.func @transform_1(%arg0: i32, %arg1: i32) -> (i32, i32) {
    %c0_i32 = arith.constant 0 : i32
    %c0_i32_0 = arith.constant 0 : i32
    %c0_i32_1 = arith.constant 0 : i32
    return %c0_i32, %c0_i32_0 : i32, i32
  }
  func.func @transform_2(%arg0: i32, %arg1: i32) -> (i32, i32, i32, i32) {
    %c0_i32 = arith.constant 0 : i32
    %c0_i32_0 = arith.constant 0 : i32
    %c0_i32_1 = arith.constant 0 : i32
    return %arg0, %arg1, %c0_i32, %c0_i32_0 : i32, i32, i32, i32
  }
  func.func @transform_3(%arg0: i32, %arg1: i32) -> (i32, i32) {
    %c0_i32 = arith.constant 0 : i32
    %c0_i32_0 = arith.constant 0 : i32
    %c0_i32_1 = arith.constant 0 : i32
    return %c0_i32, %c0_i32_0 : i32, i32
  }
}

</mosaic_0001>

<sc_bundles>
// kernel: sparse-core-data-format-call.cloned.1.call-start
scs
called_computation_lowered:
.L_overlay_start_0:
0x0: {  	s1 =	sld [smem:$0x3FD9]  }
0x1: {  	s2 =	sld [smem:$0x3FFE];
	_ =	sdelay $0x1  }
0x2: {  	s3 =	srdreg.scid  }
0x3: {  	s0 =	sand.u32 $0x1, s3  }
0x4: {  	s17 =	sshll.u32 s0, $0xA;
	s1 =	sadd.s32 s2, s1  }
0x5: {  	s1 =	sadd.s32 s1, s17  }
0x6: {  	[smem:$0x3FBA] =	sst s1  }
0x7: {  	_ = 	snop  }
0x8: {  	(tm) =	ssettm $0x1  }
0x9: {  	s18 =	sld [smem:$0x3FFB];
	_ =	sdelay $0x3  }
0xa: {  	_ =	strace s18  }
0xb: {  	s1 =	sld [smem:$0x3FFC];
	_ =	sdelay $0x3  }
0xc: {  	_ =	strace s1  }
0xd: {  	s1 =	sld [smem:$0x3FFD];
	_ =	sdelay $0x3  }
0xe: {  	_ =	strace s1  }
0xf: {  	_ =	strace $0x8FFFFFFF  }
0x10: {  	s19 =	sld [smem:$0x3FDB];
	_ =	sdelay $0x1  }
0x11: {  	s20 =	simm.s32 $_scs_section_size  }
0x12: {  	s4 =	simm.s32 $_size__tile_overlayer_lowered;
	s5 =	simm.s32 $_tile_overlayer_lowered  }
0x13: {  	s23 =	simm.s32 $0x1BFF;
	s22 =	sshll.u32 s5, $0x1;
	s1 =	sadd.s32 s20, s19  }
0x14: {  	s6 =	simm.s32 $0x0;
	s21 =	sshll.u32 s4, $0x1;
	s4 =	sadd.s32 s22, s1  }
0x15: {  	[timem:s6], [sflag:s23] =	dma.local [hbm:s4], s21  }
0x16: {  	_ =	swait.ge [sflag:s23], s21  }
0x17: {  	s2 =	ssub.s32 $0x0, s21;
	[sflag:s23] =	ssyncset.done $0x0  }
0x18: {  	[sflag:s23] =	ssyncadd.s32 s2;
	_ =	sdelay $0x1  }
0x19: {  	s24 =	simm.s32 $0x1B8B  }
0x1a: {  	_ =	swait.ge [sflag:s24], $0x1  }
0x1b: {  	[sflag:s24] =	ssyncset.done $0x0  }
0x1c: {  	s26 =	simm.s32 $0x1B8E;
	s25 =	sld [smem:$0x3FFE];
	[sflag:s24] =	ssyncadd.s32 $0xFFFFFFFF  }
0x1d: {  	s27 =	simm.s32 $execute0_lowered;
	[smem:$0x3FD2] =	sst s26  }
0x1e: {  	s4 =	sshll.u32 s27, $0x1;
	_ =	strace $0x80000046;
	[dreg:$0x1] =	wrdreg $0xFFFFFFFF  }
0x1f: {  	s28 =	simm.s32 $_size_execute0_lowered;
	s1 =	sadd.s32 s1, s4;
	[dreg:$0x0] =	wrdreg $0x0  }
0x20: {  	s4 =	sshll.u32 s28, $0x1;
	[dreg:$0x2] =	wrdreg s1  }
0x21: {  	[dreg:$0x3] =	wrdreg s4  }
0x22: {  	[dreg:$0x4] =	wrdreg $0xC0  }
0x23: {  	_ =	task [dreg:s6], $0x5FFFF  }
0x24: {  	[dreg:$0x1] =	wrdreg $0xFFFFFFFF  }
0x25: {  	[dreg:$0x0] =	wrdreg $0x60  }
0x26: {  	[dreg:$0x2] =	wrdreg s25  }
0x27: {  	[dreg:$0x3] =	wrdreg $0x9  }
0x28: {  	_ =	task.clear_ibuf [dreg:s6], $0x4FFFF;
	_ =	strace $0x90000046  }
0x29: {  	s29 =	simm.s32 $0x9;
	_ =	strace $0x80000048  }
0x2a: {  	_ =	swait.ge [sflag:s29], $0x1  }
0x2b: {  	[sflag:s29] =	ssyncadd.s32 $0xFFFFFFFF  }
0x2c: {  	_ =	strace $0x90000048  }
0x2d: {  	_ =	sfence  }
0x2e: {  	s30 =	sld [smem:$0x0];
	_ =	sdelay $0x2  }
0x2f: {  	s31 =	sshll.u32 s3, $0xD;
	s3 =	sshrl.u32 s3, $0x2  }
0x30: {  	s2 =	sand.u32 $0x4000, s31;
	s1 =	sadd.s32 s3, s30  }
0x31: {  	s0 =	sor.u32 s2, s0;
	s1 =	sshll.u32 s1, $0x11  }
0x32: {  	s0 =	sor.u32 s1, s0  }
0x33: {  	s0 =	sadd.s32 $0x8F2B, s0  }
0x34: {  	[sflag:s0] =	ssyncadd.remote.s32 $0x1  }
0x35: {  	_ =	sfence.sel $0xFFFF  }
0x36: {  	[dreg:$0x0] =	wrdreg $0xFFFFFFFF;
	(pc) =	sbr.abs _section_cstart, $3  }
0x37: {  	[dreg:$0x1] =	wrdreg $0xFFFFFFFF  }
0x38: {  	_ =	task.clear_ibuf [dreg:s6], $0x2FFFF;
	_ =	strace $0x9FFFFFFF  }
0x39: {  	(tm) =	ssettm $0x7FFFFFFF  }
tec
execute0_lowered:
.L_overlay_start_1:
0x0: {  	(tag) =	ssettag $0x1  }
0x1: {  	s1 =	rddreg [dreg:$0x0]  }
0x2: {  	s0 =	rddreg [dreg:$0x1];
	_ =	strace $0x80000047  }
0x3: {  	s4 =	srdreg.scid;
	s6 =	simm.s32 $0x2;
	s12 =	simm.s32 $0x0  }
0x4: {  	p0 =	por $0x0, $0x0;
	s11 =	simm.s32 $0x0;
	s13 =	simm.s32 $0x0  }
.Ltmp0:
0x5: {  	s8 =	simm.s32 $0x0;
	s9 =	simm.s32 $0x0;
	(pc) =	sbr.rel .LBB1_1-.Ltmp0, $4  }
0x6: {  	s2 =	sadd.s32 $0x2800, s1;
	s3 =	sadd.s32 $0x102800, s1;
	s4 =	sshll.u32 s4, $0x4  }
0x7: {  	s1 =	stileid.u32;
	s5 =	sand.u32 $0x10, s4;
	s4 =	simm.s32 $0x1  }
0x8: {  	s7 =	simm.s32 $0x0;
	s5 =	sor.u32 s1, s5;
	[sflag:s4] =	ssyncpa.u1 $0x0  }
0x9: {  	[sflag:s6] =	ssyncpa.u1 $0x0;
	s6 =	simm.s32 $0x4000;
	s10 =	smov.u32 s5  }
.LBB1_5:
0xa: {  	s14 =	sadd.s32 $0x1, s8  }
0xb: {  	s11 =	sadd.s32 $0x80, s9;
	s15 =	smov.u32 s9;
	p2 =	sgt.s32 s14, $0x3  }
0xc: {  	s15 =	smov.u32 @p2 s11  }
0xd: {  	s17 =	smov.u32 s10;
	s11 =	sadd.s32 $0x20, s10;
	p3 =	sgt.s32 s15, $0x7F  }
0xe: {  	p1 =	slt.u32 s7, $0x2;
	s17 =	smov.u32 @p3 s11  }
0xf: {  	s7 =	sadd.s32 $0x1, s7;
	s14 =	simm.s32 @p2 $0x0;
	p2 =	sgt.s32 s17, $0x7F  }
0x10: {  	s17 =	smov.u32 @p2 s5;
	p2 =	sne.s32 s7, $0x12  }
.Ltmp1:
0x11: {  	s16 =	simm.s32 @!p1 $0x2;
	(pc) =	sbr.rel @!p2 .LBB1_6-.Ltmp1, $4  }
0x12: {  	s12 =	smov.u32 s8;
	_ =	swait.ge @!p1 [sflag:s16], $0x4000  }
0x13: {  	s13 =	smov.u32 s10;
	p0 =	por !p0, !p0;
	[sflag:s16] =	ssyncset.done @!p1 $0x0  }
0x14: {  	s8 =	smov.u32 s14;
	s15 =	simm.s32 @p3 $0x0;
	s11 =	smov.u32 s9  }
0x15: {  	[sflag:s16] =	ssyncadd.s32 @!p1 $0xFFFFC000;
	s9 =	smov.u32 s15;
	s10 =	smov.u32 s17  }
.LBB1_1:
0x16: {  	p1 =	sgt.u32 s7, $0xF  }
0x17: {  	s14 =	sxor.u32 @!p1 $0xFFFFFFFF, s7;
	s15 =	sshll.u32 @!p1 s10, $0xD;
	s16 =	sshll.u32 @!p1 s9, $0x6  }
0x18: {  	s17 =	sshll.u32 @!p1 s8, $0x4;
	s14 =	sshll.u32 @!p1 s14, $0xE;
	s15 =	sadd.s32 @!p1 s2, s15  }
0x19: {  	s17 =	sand.u32 @!p1 $0x30, s17;
	s14 =	sand.u32 @!p1 $0x4000, s14;
	s15 =	sadd.s32 @!p1 s16, s15  }
0x1a: {  	s16 =	simm.s32 @!p1 $0x80;
	s15 =	sadd.s32 @!p1 s17, s15;
	s17 =	simm.s32 @!p1 $0x200  }
0x1b: {  	[tilespmem:s14], [sflag:$0x1] =	stream.strided.gather @!p1 [hbm4b:s15+s16], $0x4000, s17, s16, $0x38;
	[tilespmem:$0x10100] =	vst v63  }
0x1c: {  	p1 =	seq.s32 s7, $0x0  }
0x1d: {  	p2 =	seq.s32 @!p1 s7, $0x11  }
0x1e: {  	p1 =	por p1, p2  }
.Ltmp2:
0x1f: {  	_ = 	snop;
	(pc) =	sbr.rel @p1 .LBB1_5-.Ltmp2, $1  }
0x20: {  	_ =	sdelay $0x3  }
0x21: {  	s14 =	simm.s32 $0x1  }
0x22: {  	_ =	swait.ge [sflag:s4], $0x4000;
	s14 =	simm.s32 @!p0 $0x0  }
0x23: {  	[sflag:s4] =	ssyncset.done $0x0;
	s15 =	sshll.u32 s14, $0xE  }
0x24: {  	[sflag:s4] =	ssyncadd.s32 $0xFFFFC000;
	s16 =	sor.u32 $0x40, s15  }
0x25: {  	s14 =	smul.u32 $0x10200, s14;
	v0 =	vld [tilespmem:s16+$0x30]  }
0x26: {  	v3 =	vld [tilespmem:s16+$0xFFFFFFD0]  }
0x27: {  	s14 =	sshrl.u32 s14, $0x2;
	v4 =	vld [tilespmem:s16+$0xFFFFFFE0]  }
0x28: {  	v5 =	vld [tilespmem:s16+$0xFFFFFFF0];
	s15 =	sor.u32 $0x8000, s14  }
0x29: {  	s31 =	sand.u32 $0x1, s7;
	v1 =	vld [tilespmem:s16+$0x0];
	s17 =	sadd.s32 $0x0, s15  }
0x2a: {  	v2 =	vld [tilespmem:s16+$0x10];
	s14 =	smul.u32 $0x10200, s31;
	[tilespmem:s17+$0x3870 ss:$0x81] =	vst.msk $0xffff, v0  }
0x2b: {  	[tilespmem:s17+$0x810 ss:$0x81] =	vst.msk $0xffff, v3;
	v3 =	vld [tilespmem:s16+$0x20]  }
0x2c: {  	s14 =	sshrl.u32 s14, $0x2;
	v0 =	vld [tilespmem:s16+$0xFFFFFFC0];
	[tilespmem:s17+$0x1020 ss:$0x81] =	vst.msk $0xffff, v4;
	s16 =	sadd.s32 $0x80, s16  }
0x2d: {  	s18 =	simm.s32 $0x4;
	s19 =	simm.s32 $0x8;
	s14 =	sor.u32 $0x8000, s14;
	[tilespmem:s17+$0x1830 ss:$0x81] =	vst.msk $0xffff, v5;
	v4 =	vld [tilespmem:s16+$0x30]  }
.LBB1_3:
0x2e: {  	p1 =	sne.s32 s19, $0x1FC;
	v5 =	vld [tilespmem:s16+$0xFFFFFFD0];
	[tilespmem:s17+$0x2040 ss:$0x81] =	vst.msk $0xffff, v1  }
0x2f: {  	v6 =	vld [tilespmem:s16+$0xFFFFFFE0];
	[tilespmem:s17+$0x2850 ss:$0x81] =	vst.msk $0xffff, v2  }
0x30: {  	s20 =	sshra.s32 s18, $0x2;
	s18 =	smov.u32 s19;
	v7 =	vld [tilespmem:s16+$0xFFFFFFF0];
	[tilespmem:s17+$0x3060 ss:$0x81] =	vst.msk $0xffff, v3  }
.Ltmp3:
0x31: {  	v1 =	vld [tilespmem:s16+$0x0];
	[tilespmem:s17+$0x0 ss:$0x81] =	vst.msk $0xffff, v0;
	s17 =	sadd.s32 s20, s15;
	(pc) =	sbr.rel @p1 .LBB1_3-.Ltmp3, $4  }
0x32: {  	v2 =	vld [tilespmem:s16+$0x10];
	[tilespmem:s17+$0x3870 ss:$0x81] =	vst.msk $0xffff, v4  }
0x33: {  	[tilespmem:s17+$0x810 ss:$0x81] =	vst.msk $0xffff, v5;
	v3 =	vld [tilespmem:s16+$0x20]  }
0x34: {  	v0 =	vld [tilespmem:s16+$0xFFFFFFC0];
	[tilespmem:s17+$0x1020 ss:$0x81] =	vst.msk $0xffff, v6;
	s16 =	sadd.s32 $0x80, s16  }
0x35: {  	s19 =	sadd.s32 $0x4, s19;
	v4 =	vld [tilespmem:s16+$0x30];
	[tilespmem:s17+$0x1830 ss:$0x81] =	vst.msk $0xffff, v7  }
0x36: {  	v5 =	vld [tilespmem:s16+$0xFFFFFFD0];
	[tilespmem:s17+$0x2040 ss:$0x81] =	vst.msk $0xffff, v1  }
0x37: {  	v58 =	vld [tilespmem:s16+$0xFFFFFFE0];
	[tilespmem:s17+$0x2850 ss:$0x81] =	vst.msk $0xffff, v2  }
0x38: {  	s18 =	sshra.s32 s18, $0x2;
	v59 =	vld [tilespmem:s16+$0xFFFFFFF0];
	[tilespmem:s17+$0x3060 ss:$0x81] =	vst.msk $0xffff, v3  }
0x39: {  	v60 =	vld [tilespmem:s16+$0x0];
	s15 =	sadd.s32 s18, s15;
	[tilespmem:s17+$0x0 ss:$0x81] =	vst.msk $0xffff, v0  }
0x3a: {  	v61 =	vld [tilespmem:s16+$0x10];
	[tilespmem:s15+$0x3870 ss:$0x81] =	vst.msk $0xffff, v4  }
0x3b: {  	s13 =	sshll.u32 s13, $0x7;
	s27 =	sshll.u32 s11, $0x3;
	v62 =	vld [tilespmem:s16+$0x20];
	[tilespmem:s15+$0x810 ss:$0x81] =	vst.msk $0xffff, v5  }
0x3c: {  	v63 =	vld [tilespmem:s16+$0xFFFFFFC0];
	s12 =	sshll.u32 s12, $0x12;
	s28 =	sand.u32 $0x3C00, s13;
	s17 =	sand.u32 $0x3C00, s27;
	[tilespmem:s15+$0x1020 ss:$0x81] =	vst.msk $0xffff, v58  }
0x3d: {  	s30 =	sshrl.u32 s11, $0x3;
	s13 =	sand.u32 $0x380, s13;
	s29 =	sadd.s32 s28, s17;
	[tilespmem:s15+$0x1830 ss:$0x81] =	vst.msk $0xffff, v59  }
.Ltmp4:
0x3e: {  	s31 =	sand.u32 $0x7, s11;
	s13 =	sor.u32 s13, s29;
	[tilespmem:s15+$0x2040 ss:$0x81] =	vst.msk $0xffff, v60;
	(pc) =	sbr.rel .LBB1_5-.Ltmp4, $4  }
0x3f: {  	s16 =	sand.u32 $0xF, s30;
	s12 =	sadd.s32 s3, s12;
	[tilespmem:s15+$0x2850 ss:$0x81] =	vst.msk $0xffff, v61;
	s13 =	sshrl.u32 s13, $0x3  }
0x40: {  	s11 =	sshll.u32 s31, $0x12;
	s12 =	sadd.s32 s16, s12;
	[tilespmem:s15+$0x3060 ss:$0x81] =	vst.msk $0xffff, v62;
	s13 =	sand.u32 $0x7F0, s13  }
0x41: {  	s11 =	sor.u32 $0x80, s11;
	[tilespmem:s15+$0x0 ss:$0x81] =	vst.msk $0xffff, v63;
	s12 =	sadd.s32 s13, s12  }
0x42: {  	[hbm4b:s12+s11] =	stream.strided.scatter [tilespmem:s14], [sflag:$0x2], $0x4000, s6, s11, $0x20;
	[tilespmem:$0x10100] =	vst v63  }
.LBB1_6:
0x43: {  	_ =	sfence.sel $0x180000  }
0x44: {  	s2 =	simm.s32 $0x1;
	[bflag:$0x0] =	sbarrier.arrive $0xFFFF  }
0x45: {  	s31 =	simm.s32 $0x2;
	[sflag:s2] =	ssyncpa.u1 $0x1  }
0x46: {  	[sflag:s31] =	ssyncpa.u1 $0x1  }
0x47: {  	p0 =	sne.s32 s1, $0x0;
	_ =	strace $0x90000047  }
0x48: {  	s0 =	sadd.s32 @!p0 $0x100000, s0;
	[bflag:$0x2] =	sbarrier.arrive $0xFFFF  }
0x49: {  	[sflag:s0] =	ssyncadd.tile.s32 @!p0 $0x1;
	_ =	shalt  }
.Lfunc_end1:
_tile_overlayer_lowered:
.L_overlay_start_2:
0x4a: {  	(tag) =	ssettag $0x2  }
0x4b: {  	s0 =	rddreg [dreg:$0x0];
	s2 =	stileid.u32  }
0x4c: {  	s1 =	rddreg [dreg:$0x1];
	p0 =	sne.s32 s2, $0x0  }
0x4d: {  	s3 =	rddreg [dreg:$0x2];
	[bflag:$0x3] =	sbarrier.arrive $0xFFFF;
	s2 =	simm.s32 @!p0 $0x1C01  }
0x4e: {  	[timem:s3], [sflag:s2] =	dma.local @!p0 [hbm:s0], s1  }
0x4f: {  	s0 =	simm.s32 @!p0 $0x1  }
0x50: {  	_ =	swait.ge @!p0 [sflag:s0], s1  }
0x51: {  	s1 =	ssub.s32 @!p0 $0x0, s1;
	[sflag:s0] =	ssyncset.done @!p0 $0x0  }
0x52: {  	[sflag:s0] =	ssyncadd.s32 @!p0 s1  }
0x53: {  	[bflag:$0x3] =	sbarrier.arrive $0xFFFF  }
0x54: {  	_ =	shalt  }

</sc_bundles>
